<compile_context>
chip_gen: v7x
topology: tpu7x:2x2x1
jax: 0.10.2.dev20260603
libtpu: 0.0.44.dev20260713+nightly
codegen_flags: <defaults>
</compile_context>

<pallas_src>
import functools

import jax
import jax.numpy as jnp
from jax import lax
from jax.experimental import pallas as pl
from jax.experimental.pallas import tpu as pltpu
from jax.experimental.pallas import tpu_sc as plsc

_N = 8192
_EPS = 1e-5
_F32 = jnp.float32


def _leaky(x):
    return jnp.where(x >= 0, x, 0.2 * x)


def _dot(a, b):
    return jax.lax.dot(a, b, preferred_element_type=_F32)



def _lin_leaky_body(x_ref, w_ref, b_ref, o_ref):
    o_ref[...] = _leaky(_dot(x_ref[...], w_ref[...]) + b_ref[...])


def _lin_body(x_ref, w_ref, b_ref, o_ref):
    o_ref[...] = _dot(x_ref[...], w_ref[...]) + b_ref[...]


def _run_lin(x, wt, b, act, brl=8192):
    m, k = x.shape
    n = wt.shape[1]
    body = _lin_leaky_body if act else _lin_body
    return pl.pallas_call(
        body,
        grid=(m // brl,),
        in_specs=[
            pl.BlockSpec((brl, k), lambda r: (r, 0)),
            pl.BlockSpec((k, n), lambda r: (0, 0)),
            pl.BlockSpec((1, n), lambda r: (0, 0)),
        ],
        out_specs=pl.BlockSpec((brl, n), lambda r: (r, 0)),
        out_shape=jax.ShapeDtypeStruct((m, n), _F32),
        compiler_params=pltpu.CompilerParams(
            dimension_semantics=("arbitrary",)),
    )(x, wt, b)



def _gn(y, G, w, b):
    n, c = y.shape
    xg = y.reshape(n, G, c // G)
    m = xg.mean(axis=2, keepdims=True)
    v = xg.var(axis=2, keepdims=True)
    xn = (xg - m) / jnp.sqrt(v + _EPS)
    return xn.reshape(n, c) * w + b



_RBS = 1024
_CBS = 1024


def _sim_body(ovn_ref, opnt_ref, idx_ref, mx_ref, m_sc, i_sc):
    cb = pl.program_id(1)
    ncb = pl.num_programs(1)
    s = _dot(ovn_ref[...], opnt_ref[...])
    bm = jnp.max(s, axis=1, keepdims=True)
    col = lax.broadcasted_iota(jnp.int32, s.shape, 1) + cb * _CBS
    cand = jnp.min(jnp.where(s == bm, col, jnp.int32(2 ** 30)),
                   axis=1, keepdims=True)

    @pl.when(cb == 0)
    def _():
        m_sc[...] = bm
        i_sc[...] = cand

    @pl.when(cb > 0)
    def _():
        prev = m_sc[...]
        better = bm > prev
        i_sc[...] = jnp.where(better, cand, i_sc[...])
        m_sc[...] = jnp.where(better, bm, prev)

    @pl.when(cb == ncb - 1)
    def _():
        idx_ref[...] = i_sc[...]
        mx_ref[...] = m_sc[...]


def _run_sim_argmax(ovn, opn_t):
    grid = (_N // _RBS, _N // _CBS)
    return pl.pallas_call(
        _sim_body,
        grid=grid,
        in_specs=[
            pl.BlockSpec((_RBS, 128), lambda rb, cb: (rb, 0)),
            pl.BlockSpec((128, _CBS), lambda rb, cb: (0, cb)),
        ],
        out_specs=[
            pl.BlockSpec((_RBS, 1), lambda rb, cb: (rb, 0)),
            pl.BlockSpec((_RBS, 1), lambda rb, cb: (rb, 0)),
        ],
        out_shape=[
            jax.ShapeDtypeStruct((_N, 1), jnp.int32),
            jax.ShapeDtypeStruct((_N, 1), _F32),
        ],
        scratch_shapes=[
            pltpu.VMEM((_RBS, 1), _F32),
            pltpu.VMEM((_RBS, 1), jnp.int32),
        ],
        compiler_params=pltpu.CompilerParams(
            dimension_semantics=("parallel", "arbitrary")),
    )(ovn, opn_t)



def _make_sc_gather():
    info = plsc.get_sparse_core_info()
    nc, ns = info.num_cores, info.num_subcores
    nw = nc * ns
    bpw = _N // nw
    mesh = plsc.VectorSubcoreMesh(core_axis_name="c", subcore_axis_name="s")

    @functools.partial(
        pl.kernel,
        mesh=mesh,
        out_type=jax.ShapeDtypeStruct((_N, 128), _F32),
        scratch_types=[
            pltpu.VMEM((bpw,), jnp.int32),
            pltpu.VMEM((bpw, 128), _F32),
            pltpu.SemaphoreType.DMA,
        ],
    )
    def gather(table_hbm, idx_hbm, out_hbm, idx_v, rows_v, sem):
        wid = lax.axis_index("s") * nc + lax.axis_index("c")
        base = wid * bpw
        pltpu.sync_copy(idx_hbm.at[pl.ds(base, bpw)], idx_v)
        pltpu.async_copy(table_hbm.at[idx_v], rows_v, sem).wait()
        pltpu.sync_copy(rows_v, out_hbm.at[pl.ds(base, bpw)])

    return gather



def kernel(vtx, pts, params):
    p = params
    r2 = lambda a: a.reshape(1, -1)
    n2 = 2 * _N

    x = jnp.zeros((n2, 8), _F32)
    x = x.at[:_N, :3].set(vtx).at[_N:, :3].set(pts)
    w1t = jnp.zeros((8, 32), _F32).at[:3].set(p['W1'].T)

    y1 = _run_lin(x, w1t, r2(p['b1']), True)
    a1 = _gn(y1, 1, p['g1'], p['be1'])
    y2 = _run_lin(a1, p['W2'].T, r2(p['b2']), True)
    a2 = _gn(y2, 2, p['g2'], p['be2'])
    y3 = _run_lin(a2, p['W3'].T, r2(p['b3']), True)
    x1 = _gn(y3, 4, p['g3'], p['be3'])
    y4 = _run_lin(x1, p['W4'].T, r2(p['b4']), True)
    x2 = _gn(y4, 4, p['g4'], p['be4'])

    gmax_v = jnp.max(x2[:_N], axis=0)
    gmax_p = jnp.max(x2[_N:], axis=0)
    cat5 = jnp.concatenate([
        jnp.concatenate([jnp.tile(gmax_v[None, :], (_N, 1)), x1[:_N]], axis=1),
        jnp.concatenate([jnp.tile(gmax_p[None, :], (_N, 1)), x1[_N:]], axis=1),
    ], axis=0)

    y5 = _run_lin(cat5, p['W5'].T, r2(p['b5']), True)
    a5 = _gn(y5, 4, p['g5'], p['be5'])
    y6 = _run_lin(a5, p['W6'].T, r2(p['b6']), True)
    a6 = _gn(y6, 2, p['g6'], p['be6'])
    o = _run_lin(a6, p['W7'].T, r2(p['b7']), False)
    on = o / jnp.linalg.norm(o, axis=1, keepdims=True)
    ovn, opn = on[:_N], on[_N:]

    idx2d, mx2d = _run_sim_argmax(ovn, opn.T)

    corr = _make_sc_gather()(opn, idx2d.reshape(_N))

    catf = jnp.concatenate(
        [ovn, corr, mx2d, jnp.zeros((_N, 7), _F32)], axis=1)
    wft = jnp.zeros((264, 64), _F32).at[:257].set(p['Wf'].T)
    hf = _run_lin(catf, wft, r2(p['bf']), True)
    af = _gn(hf, 2, p['gf'], p['bef'])
    out_corrmask = _run_lin(af, p['Wl'].T, r2(p['bl']), False)

    return ovn, opn, out_corrmask

# --- scband reference (transcript-rebuilt; emitter-appended) ---
"""Pipeline reference for scband-corr-net-14328010900324 (READ-ONLY COPY).

The authoritative reference and input builder live on the scoring server;
editing this copy changes nothing except your own understanding.
"""

import jax, jax.numpy as jnp
import numpy as np


def leaky(x):
    return jnp.where(x >= 0, x, 0.2 * x)


def group_norm(x, G, w, b, eps=1e-5):
    N, C = x.shape
    xg = x.reshape(N, G, C // G)
    m = xg.mean(axis=2, keepdims=True)
    v = xg.var(axis=2, keepdims=True)
    xn = (xg - m) / jnp.sqrt(v + eps)
    return xn.reshape(N, C) * w + b


def linear(x, W, b):
    return x @ W.T + b


def mlp_block(x, W, b, g, be, G):
    return group_norm(leaky(linear(x, W, b)), G, g, be)


def pointnet(x, p):
    x1 = mlp_block(x, p['W1'], p['b1'], p['g1'], p['be1'], 1)
    x1 = mlp_block(x1, p['W2'], p['b2'], p['g2'], p['be2'], 2)
    x1 = mlp_block(x1, p['W3'], p['b3'], p['g3'], p['be3'], 4)
    x2 = mlp_block(x1, p['W4'], p['b4'], p['g4'], p['be4'], 4)
    x3 = jnp.max(x2, axis=0)
    x3 = jnp.tile(x3[None, :], (x.shape[0], 1))
    x3 = jnp.concatenate([x3, x1], axis=1)
    x3 = mlp_block(x3, p['W5'], p['b5'], p['g5'], p['be5'], 4)
    x3 = mlp_block(x3, p['W6'], p['b6'], p['g6'], p['be6'], 2)
    return linear(x3, p['W7'], p['b7'])


def corrnet(vtx, pts, params):
    out_vtx = pointnet(vtx, params)
    out_pts = pointnet(pts, params)
    ovn = out_vtx / jnp.linalg.norm(out_vtx, axis=1, keepdims=True)
    opn = out_pts / jnp.linalg.norm(out_pts, axis=1, keepdims=True)
    sim = ovn @ opn.T
    idx = jnp.argmax(sim, axis=1)
    corr = opn[idx]
    mx = jnp.max(sim, axis=1)[:, None]
    cat = jnp.concatenate([ovn, corr, mx], axis=1)
    h = mlp_block(cat, params['Wf'], params['bf'], params['gf'], params['bef'], 2)
    out_corrmask = linear(h, params['Wl'], params['bl'])
    return ovn, opn, out_corrmask


def _make_params(key):
    ks = iter(jax.random.split(key, 64))
    p = {}
    def lin_p(name, din, dout):
        p['W' + name] = jax.random.normal(next(ks), (dout, din), dtype=jnp.float32) * (1.0 / np.sqrt(din))
        p['b' + name] = jax.random.normal(next(ks), (dout,), dtype=jnp.float32) * 0.01
    def gn_p(name, c):
        p['g' + name] = jnp.ones((c,), dtype=jnp.float32)
        p['be' + name] = jnp.zeros((c,), dtype=jnp.float32)
    lin_p('1', 3, 32); gn_p('1', 32)
    lin_p('2', 32, 64); gn_p('2', 64)
    lin_p('3', 64, 128); gn_p('3', 128)
    lin_p('4', 128, 128); gn_p('4', 128)
    lin_p('5', 256, 128); gn_p('5', 128)
    lin_p('6', 128, 64); gn_p('6', 64)
    lin_p('7', 64, 128)
    lin_p('f', 257, 64); gn_p('f', 64)
    lin_p('l', 64, 1)
    return p


def setup_inputs(seed: int = 0) -> dict:
    key = jax.random.key(seed)
    k1, k2, k3 = jax.random.split(key, 3)
    vtx = jax.random.normal(k1, (8192, 3), dtype=jnp.float32)
    pts = jax.random.normal(k2, (8192, 3), dtype=jnp.float32)
    params = _make_params(k3)
    return {'vtx': vtx, 'pts': pts, 'params': params}


def reference(vtx, pts, params):
    return corrnet(vtx, pts, params)

if __name__ == "__main__":
    import jax
    _d = setup_inputs()
    print(jax.jit(kernel)(*tuple(_d.values())))

</pallas_src>

<mosaic_0001>
#map = affine_map<(d0, d1) -> (0, 0)>
#map1 = affine_map<(d0, d1) -> (0)>
module attributes {stable_mosaic.version = 14 : i64} {
  func.func @gather(%arg0: i32, %arg1: i32, %arg2: memref<8192x128xf32, #tpu.memory_space<hbm>>, %arg3: memref<8192xi32, #tpu.memory_space<hbm>>, %arg4: memref<8192x128xf32, #tpu.memory_space<hbm>>, %arg5: memref<256xi32, #tpu.memory_space<vmem>>, %arg6: memref<256x128xf32, #tpu.memory_space<vmem>>, %arg7: memref<!tpu.dma_semaphore, #tpu.memory_space<semaphore_mem>>) attributes {dimension_semantics = [#tpu.dimension_semantics<core_parallel>, #tpu.dimension_semantics<subcore_parallel>], iteration_bounds = array<i64: 2, 16>, scalar_prefetch = 0 : i64, scratch_operands = 3 : i64, tpu.core_type = #tpu.core_type<sc_vector_subcore>, window_params = [{transform_indices = #map}, {transform_indices = #map1}, {transform_indices = #map}]} {
    %mul3A = arith.constant 2 : i32
    %mul3A_0 = arith.muli %arg1, %mul3A : i32
    %add3A = arith.addi %mul3A_0, %arg0 : i32
    %mul3A_1 = arith.constant 256 : i32
    %mul3A_2 = arith.muli %add3A, %mul3A_1 : i32
    "tpu.region"() ({
      %run_scoped3A = tpu.sem_alloc : memref<!tpu.dma_semaphore, #tpu.memory_space<semaphore_mem>>
      %dma_start3A_7 = tpu.memref_slice %arg3[%mul3A_2] : memref<8192xi32, #tpu.memory_space<hbm>> -> memref<256xi32, #tpu.memory_space<hbm>>
      %dma_start3A_8 = tpu.memref_slice %arg3[%mul3A_2] : memref<8192xi32, #tpu.memory_space<hbm>> -> memref<256xi32, #tpu.memory_space<hbm>>
      tpu.enqueue_dma source(%dma_start3A_8 : memref<256xi32, #tpu.memory_space<hbm>>) target(%arg5 : memref<256xi32, #tpu.memory_space<vmem>>) target_semaphore(%run_scoped3A : memref<!tpu.dma_semaphore, #tpu.memory_space<semaphore_mem>>)
      %dma_wait3A_9 = tpu.memref_slice %arg3[%mul3A_2] : memref<8192xi32, #tpu.memory_space<hbm>> -> memref<256xi32, #tpu.memory_space<hbm>>
      %dma_wait3A_10 = tpu.memref_slice %arg3[%mul3A_2] : memref<8192xi32, #tpu.memory_space<hbm>> -> memref<256xi32, #tpu.memory_space<hbm>>
      tpu.wait_dma2 semaphore(%run_scoped3A : memref<!tpu.dma_semaphore, #tpu.memory_space<semaphore_mem>>) src(%dma_wait3A_10 : memref<256xi32, #tpu.memory_space<hbm>>) dst(%arg5 : memref<256xi32, #tpu.memory_space<vmem>>)
      tpu.yield
    }) : () -> ()
    %dma_start3A = arith.constant 0 : i32
    %dma_start3A_3 = arith.constant 0 : i32
    %dma_start3A_4 = tpu.memref_slice %arg2[%dma_start3A, %dma_start3A_3] : memref<8192x128xf32, #tpu.memory_space<hbm>> -> memref<8192x128xf32, #tpu.memory_space<hbm>>
    tpu.enqueue_indirect_dma source(%dma_start3A_4 : memref<8192x128xf32, #tpu.memory_space<hbm>>) target(%arg6 : memref<256x128xf32, #tpu.memory_space<vmem>>) offsets(%arg5 : memref<256xi32, #tpu.memory_space<vmem>>) semaphore(%arg7 : memref<!tpu.dma_semaphore, #tpu.memory_space<semaphore_mem>>)
    %dma_wait3A = arith.constant 0 : i32
    %dma_wait3A_5 = arith.constant 0 : i32
    %dma_wait3A_6 = tpu.memref_slice %arg2[%dma_wait3A, %dma_wait3A_5] : memref<8192x128xf32, #tpu.memory_space<hbm>> -> memref<8192x128xf32, #tpu.memory_space<hbm>>
    tpu.wait_indirect_dma semaphore(%arg7 : memref<!tpu.dma_semaphore, #tpu.memory_space<semaphore_mem>>) src(%dma_wait3A_6 : memref<8192x128xf32, #tpu.memory_space<hbm>>) dst(%arg6 : memref<256x128xf32, #tpu.memory_space<vmem>>)
    "tpu.region"() ({
      %run_scoped3A = tpu.sem_alloc : memref<!tpu.dma_semaphore, #tpu.memory_space<semaphore_mem>>
      %dma_start3A_7 = arith.constant 0 : i32
      %dma_start3A_8 = tpu.memref_slice %arg4[%mul3A_2, %dma_start3A_7] : memref<8192x128xf32, #tpu.memory_space<hbm>> -> memref<256x128xf32, #tpu.memory_space<hbm>>
      %dma_start3A_9 = arith.constant 0 : i32
      %dma_start3A_10 = tpu.memref_slice %arg4[%mul3A_2, %dma_start3A_9] : memref<8192x128xf32, #tpu.memory_space<hbm>> -> memref<256x128xf32, #tpu.memory_space<hbm>>
      tpu.enqueue_dma source(%arg6 : memref<256x128xf32, #tpu.memory_space<vmem>>) target(%dma_start3A_10 : memref<256x128xf32, #tpu.memory_space<hbm>>) target_semaphore(%run_scoped3A : memref<!tpu.dma_semaphore, #tpu.memory_space<semaphore_mem>>)
      %dma_wait3A_11 = arith.constant 0 : i32
      %dma_wait3A_12 = tpu.memref_slice %arg4[%mul3A_2, %dma_wait3A_11] : memref<8192x128xf32, #tpu.memory_space<hbm>> -> memref<256x128xf32, #tpu.memory_space<hbm>>
      %dma_wait3A_13 = arith.constant 0 : i32
      %dma_wait3A_14 = tpu.memref_slice %arg4[%mul3A_2, %dma_wait3A_13] : memref<8192x128xf32, #tpu.memory_space<hbm>> -> memref<256x128xf32, #tpu.memory_space<hbm>>
      tpu.wait_dma2 semaphore(%run_scoped3A : memref<!tpu.dma_semaphore, #tpu.memory_space<semaphore_mem>>) src(%arg6 : memref<256x128xf32, #tpu.memory_space<vmem>>) dst(%dma_wait3A_14 : memref<256x128xf32, #tpu.memory_space<hbm>>)
      tpu.yield
    }) : () -> ()
    return
  }
}

module attributes {stable_mosaic.version = 14 : i64} {
  func.func @_lin_leaky_body(%arg0: i32, %arg1: memref<8192x8xf32, #tpu.memory_space<vmem>>, %arg2: memref<8x32xf32, #tpu.memory_space<vmem>>, %arg3: memref<1x32xf32, #tpu.memory_space<vmem>>, %arg4: memref<8192x32xf32, #tpu.memory_space<vmem>>) attributes {dimension_semantics = [#tpu.dimension_semantics<arbitrary>], iteration_bounds = array<i64: 2>, scalar_prefetch = 0 : i64, scratch_operands = 0 : i64, tpu.core_type = #tpu.core_type<tc>, window_params = [{transform_indices = @transform_0, window_bounds = array<i64: 8192, 8>}, {pipeline_mode = #tpu.pipeline_mode<synchronous>, transform_indices = @transform_1, window_bounds = array<i64: 8, 32>}, {pipeline_mode = #tpu.pipeline_mode<synchronous>, transform_indices = @transform_2, window_bounds = array<i64: 1, 32>}, {transform_indices = @transform_3, window_bounds = array<i64: 8192, 32>}]} {
    %get3A = arith.constant 0 : index
    %get3A_0 = arith.constant 0 : index
    %get3A_1 = vector.load %arg1[%get3A, %get3A_0] : memref<8192x8xf32, #tpu.memory_space<vmem>>, vector<8192x8xf32>
    %get3A_2 = arith.constant 0 : index
    %get3A_3 = arith.constant 0 : index
    %get3A_4 = vector.load %arg2[%get3A_2, %get3A_3] : memref<8x32xf32, #tpu.memory_space<vmem>>, vector<8x32xf32>
    %dot_general3A = arith.constant dense<0.000000e+00> : vector<8192x32xf32>
    %dot_general3A_5 = tpu.matmul %get3A_1, %get3A_4, %dot_general3A {dimension_numbers = #tpu.dot_dimension_numbers<[1], [0], [0], [1], [0, 0, 1, 1], [], []>, transpose_lhs_hint = false} : vector<8192x8xf32>, vector<8x32xf32>, vector<8192x32xf32> -> vector<8192x32xf32>
    %get3A_6 = arith.constant 0 : index
    %get3A_7 = arith.constant 0 : index
    %get3A_8 = vector.load %arg3[%get3A_6, %get3A_7] : memref<1x32xf32, #tpu.memory_space<vmem>>, vector<1x32xf32>
    %add3A = vector.broadcast %get3A_8 : vector<1x32xf32> to vector<8192x32xf32>
    %add3A_9 = arith.addf %dot_general3A_5, %add3A : vector<8192x32xf32>
    %ge3A = arith.constant 0.000000e+00 : f32
    %ge3A_10 = vector.broadcast %ge3A : f32 to vector<8192x32xf32>
    %ge3A_11 = arith.cmpf oge, %add3A_9, %ge3A_10 : vector<8192x32xf32>
    %mul3A = arith.constant 2.000000e-01 : f32
    %mul3A_12 = vector.broadcast %mul3A : f32 to vector<8192x32xf32>
    %mul3A_13 = arith.mulf %mul3A_12, %add3A_9 : vector<8192x32xf32>
    %select_n3A = arith.select %ge3A_11, %add3A_9, %mul3A_13 : vector<8192x32xi1>, vector<8192x32xf32>
    %swap3A = arith.constant 0 : index
    %swap3A_14 = arith.constant 0 : index
    %swap3A_15 = vector.load %arg4[%swap3A, %swap3A_14] : memref<8192x32xf32, #tpu.memory_space<vmem>>, vector<8192x32xf32>
    tpu.vector_store %arg4[%swap3A, %swap3A_14], %select_n3A {strides = array<i32>} : memref<8192x32xf32, #tpu.memory_space<vmem>>, vector<8192x32xf32>,
    return
  }
  func.func @transform_0(%arg0: i32) -> (i32, i32) {
    %c0_i32 = arith.constant 0 : i32
    %c0_i32_0 = arith.constant 0 : i32
    return %arg0, %c0_i32 : i32, i32
  }
  func.func @transform_1(%arg0: i32) -> (i32, i32) {
    %c0_i32 = arith.constant 0 : i32
    %c0_i32_0 = arith.constant 0 : i32
    %c0_i32_1 = arith.constant 0 : i32
    return %c0_i32, %c0_i32_0 : i32, i32
  }
  func.func @transform_2(%arg0: i32) -> (i32, i32) {
    %c0_i32 = arith.constant 0 : i32
    %c0_i32_0 = arith.constant 0 : i32
    %c0_i32_1 = arith.constant 0 : i32
    return %c0_i32, %c0_i32_0 : i32, i32
  }
  func.func @transform_3(%arg0: i32) -> (i32, i32) {
    %c0_i32 = arith.constant 0 : i32
    %c0_i32_0 = arith.constant 0 : i32
    return %arg0, %c0_i32 : i32, i32
  }
}

module attributes {stable_mosaic.version = 14 : i64} {
  func.func @_lin_leaky_body(%arg0: i32, %arg1: memref<8192x32xf32, #tpu.memory_space<vmem>>, %arg2: memref<32x64xf32, #tpu.memory_space<vmem>>, %arg3: memref<1x64xf32, #tpu.memory_space<vmem>>, %arg4: memref<8192x64xf32, #tpu.memory_space<vmem>>) attributes {dimension_semantics = [#tpu.dimension_semantics<arbitrary>], iteration_bounds = array<i64: 2>, scalar_prefetch = 0 : i64, scratch_operands = 0 : i64, tpu.core_type = #tpu.core_type<tc>, window_params = [{transform_indices = @transform_0, window_bounds = array<i64: 8192, 32>}, {pipeline_mode = #tpu.pipeline_mode<synchronous>, transform_indices = @transform_1, window_bounds = array<i64: 32, 64>}, {pipeline_mode = #tpu.pipeline_mode<synchronous>, transform_indices = @transform_2, window_bounds = array<i64: 1, 64>}, {transform_indices = @transform_3, window_bounds = array<i64: 8192, 64>}]} {
    %get3A = arith.constant 0 : index
    %get3A_0 = arith.constant 0 : index
    %get3A_1 = vector.load %arg1[%get3A, %get3A_0] : memref<8192x32xf32, #tpu.memory_space<vmem>>, vector<8192x32xf32>
    %get3A_2 = arith.constant 0 : index
    %get3A_3 = arith.constant 0 : index
    %get3A_4 = vector.load %arg2[%get3A_2, %get3A_3] : memref<32x64xf32, #tpu.memory_space<vmem>>, vector<32x64xf32>
    %dot_general3A = arith.constant dense<0.000000e+00> : vector<8192x64xf32>
    %dot_general3A_5 = tpu.matmul %get3A_1, %get3A_4, %dot_general3A {dimension_numbers = #tpu.dot_dimension_numbers<[1], [0], [0], [1], [0, 0, 1, 1], [], []>, transpose_lhs_hint = false} : vector<8192x32xf32>, vector<32x64xf32>, vector<8192x64xf32> -> vector<8192x64xf32>
    %get3A_6 = arith.constant 0 : index
    %get3A_7 = arith.constant 0 : index
    %get3A_8 = vector.load %arg3[%get3A_6, %get3A_7] : memref<1x64xf32, #tpu.memory_space<vmem>>, vector<1x64xf32>
    %add3A = vector.broadcast %get3A_8 : vector<1x64xf32> to vector<8192x64xf32>
    %add3A_9 = arith.addf %dot_general3A_5, %add3A : vector<8192x64xf32>
    %ge3A = arith.constant 0.000000e+00 : f32
    %ge3A_10 = vector.broadcast %ge3A : f32 to vector<8192x64xf32>
    %ge3A_11 = arith.cmpf oge, %add3A_9, %ge3A_10 : vector<8192x64xf32>
    %mul3A = arith.constant 2.000000e-01 : f32
    %mul3A_12 = vector.broadcast %mul3A : f32 to vector<8192x64xf32>
    %mul3A_13 = arith.mulf %mul3A_12, %add3A_9 : vector<8192x64xf32>
    %select_n3A = arith.select %ge3A_11, %add3A_9, %mul3A_13 : vector<8192x64xi1>, vector<8192x64xf32>
    %swap3A = arith.constant 0 : index
    %swap3A_14 = arith.constant 0 : index
    %swap3A_15 = vector.load %arg4[%swap3A, %swap3A_14] : memref<8192x64xf32, #tpu.memory_space<vmem>>, vector<8192x64xf32>
    tpu.vector_store %arg4[%swap3A, %swap3A_14], %select_n3A {strides = array<i32>} : memref<8192x64xf32, #tpu.memory_space<vmem>>, vector<8192x64xf32>,
    return
  }
  func.func @transform_0(%arg0: i32) -> (i32, i32) {
    %c0_i32 = arith.constant 0 : i32
    %c0_i32_0 = arith.constant 0 : i32
    return %arg0, %c0_i32 : i32, i32
  }
  func.func @transform_1(%arg0: i32) -> (i32, i32) {
    %c0_i32 = arith.constant 0 : i32
    %c0_i32_0 = arith.constant 0 : i32
    %c0_i32_1 = arith.constant 0 : i32
    return %c0_i32, %c0_i32_0 : i32, i32
  }
  func.func @transform_2(%arg0: i32) -> (i32, i32) {
    %c0_i32 = arith.constant 0 : i32
    %c0_i32_0 = arith.constant 0 : i32
    %c0_i32_1 = arith.constant 0 : i32
    return %c0_i32, %c0_i32_0 : i32, i32
  }
  func.func @transform_3(%arg0: i32) -> (i32, i32) {
    %c0_i32 = arith.constant 0 : i32
    %c0_i32_0 = arith.constant 0 : i32
    return %arg0, %c0_i32 : i32, i32
  }
}

module attributes {stable_mosaic.version = 14 : i64} {
  func.func @_lin_leaky_body(%arg0: i32, %arg1: memref<8192x64xf32, #tpu.memory_space<vmem>>, %arg2: memref<64x128xf32, #tpu.memory_space<vmem>>, %arg3: memref<1x128xf32, #tpu.memory_space<vmem>>, %arg4: memref<8192x128xf32, #tpu.memory_space<vmem>>) attributes {dimension_semantics = [#tpu.dimension_semantics<arbitrary>], iteration_bounds = array<i64: 2>, scalar_prefetch = 0 : i64, scratch_operands = 0 : i64, tpu.core_type = #tpu.core_type<tc>, window_params = [{transform_indices = @transform_0, window_bounds = array<i64: 8192, 64>}, {pipeline_mode = #tpu.pipeline_mode<synchronous>, transform_indices = @transform_1, window_bounds = array<i64: 64, 128>}, {pipeline_mode = #tpu.pipeline_mode<synchronous>, transform_indices = @transform_2, window_bounds = array<i64: 1, 128>}, {transform_indices = @transform_3, window_bounds = array<i64: 8192, 128>}]} {
    %get3A = arith.constant 0 : index
    %get3A_0 = arith.constant 0 : index
    %get3A_1 = vector.load %arg1[%get3A, %get3A_0] : memref<8192x64xf32, #tpu.memory_space<vmem>>, vector<8192x64xf32>
    %get3A_2 = arith.constant 0 : index
    %get3A_3 = arith.constant 0 : index
    %get3A_4 = vector.load %arg2[%get3A_2, %get3A_3] : memref<64x128xf32, #tpu.memory_space<vmem>>, vector<64x128xf32>
    %dot_general3A = arith.constant dense<0.000000e+00> : vector<8192x128xf32>
    %dot_general3A_5 = tpu.matmul %get3A_1, %get3A_4, %dot_general3A {dimension_numbers = #tpu.dot_dimension_numbers<[1], [0], [0], [1], [0, 0, 1, 1], [], []>, transpose_lhs_hint = false} : vector<8192x64xf32>, vector<64x128xf32>, vector<8192x128xf32> -> vector<8192x128xf32>
    %get3A_6 = arith.constant 0 : index
    %get3A_7 = arith.constant 0 : index
    %get3A_8 = vector.load %arg3[%get3A_6, %get3A_7] : memref<1x128xf32, #tpu.memory_space<vmem>>, vector<1x128xf32>
    %add3A = vector.broadcast %get3A_8 : vector<1x128xf32> to vector<8192x128xf32>
    %add3A_9 = arith.addf %dot_general3A_5, %add3A : vector<8192x128xf32>
    %ge3A = arith.constant 0.000000e+00 : f32
    %ge3A_10 = vector.broadcast %ge3A : f32 to vector<8192x128xf32>
    %ge3A_11 = arith.cmpf oge, %add3A_9, %ge3A_10 : vector<8192x128xf32>
    %mul3A = arith.constant 2.000000e-01 : f32
    %mul3A_12 = vector.broadcast %mul3A : f32 to vector<8192x128xf32>
    %mul3A_13 = arith.mulf %mul3A_12, %add3A_9 : vector<8192x128xf32>
    %select_n3A = arith.select %ge3A_11, %add3A_9, %mul3A_13 : vector<8192x128xi1>, vector<8192x128xf32>
    %swap3A = arith.constant 0 : index
    %swap3A_14 = arith.constant 0 : index
    %swap3A_15 = vector.load %arg4[%swap3A, %swap3A_14] : memref<8192x128xf32, #tpu.memory_space<vmem>>, vector<8192x128xf32>
    tpu.vector_store %arg4[%swap3A, %swap3A_14], %select_n3A {strides = array<i32>} : memref<8192x128xf32, #tpu.memory_space<vmem>>, vector<8192x128xf32>,
    return
  }
  func.func @transform_0(%arg0: i32) -> (i32, i32) {
    %c0_i32 = arith.constant 0 : i32
    %c0_i32_0 = arith.constant 0 : i32
    return %arg0, %c0_i32 : i32, i32
  }
  func.func @transform_1(%arg0: i32) -> (i32, i32) {
    %c0_i32 = arith.constant 0 : i32
    %c0_i32_0 = arith.constant 0 : i32
    %c0_i32_1 = arith.constant 0 : i32
    return %c0_i32, %c0_i32_0 : i32, i32
  }
  func.func @transform_2(%arg0: i32) -> (i32, i32) {
    %c0_i32 = arith.constant 0 : i32
    %c0_i32_0 = arith.constant 0 : i32
    %c0_i32_1 = arith.constant 0 : i32
    return %c0_i32, %c0_i32_0 : i32, i32
  }
  func.func @transform_3(%arg0: i32) -> (i32, i32) {
    %c0_i32 = arith.constant 0 : i32
    %c0_i32_0 = arith.constant 0 : i32
    return %arg0, %c0_i32 : i32, i32
  }
}

module attributes {stable_mosaic.version = 14 : i64} {
  func.func @_lin_leaky_body(%arg0: i32, %arg1: memref<8192x128xf32, #tpu.memory_space<vmem>>, %arg2: memref<128x128xf32, #tpu.memory_space<vmem>>, %arg3: memref<1x128xf32, #tpu.memory_space<vmem>>, %arg4: memref<8192x128xf32, #tpu.memory_space<vmem>>) attributes {dimension_semantics = [#tpu.dimension_semantics<arbitrary>], iteration_bounds = array<i64: 2>, scalar_prefetch = 0 : i64, scratch_operands = 0 : i64, tpu.core_type = #tpu.core_type<tc>, window_params = [{transform_indices = @transform_0, window_bounds = array<i64: 8192, 128>}, {pipeline_mode = #tpu.pipeline_mode<synchronous>, transform_indices = @transform_1, window_bounds = array<i64: 128, 128>}, {pipeline_mode = #tpu.pipeline_mode<synchronous>, transform_indices = @transform_2, window_bounds = array<i64: 1, 128>}, {transform_indices = @transform_3, window_bounds = array<i64: 8192, 128>}]} {
    %get3A = arith.constant 0 : index
    %get3A_0 = arith.constant 0 : index
    %get3A_1 = vector.load %arg1[%get3A, %get3A_0] : memref<8192x128xf32, #tpu.memory_space<vmem>>, vector<8192x128xf32>
    %get3A_2 = arith.constant 0 : index
    %get3A_3 = arith.constant 0 : index
    %get3A_4 = vector.load %arg2[%get3A_2, %get3A_3] : memref<128x128xf32, #tpu.memory_space<vmem>>, vector<128x128xf32>
    %dot_general3A = arith.constant dense<0.000000e+00> : vector<8192x128xf32>
    %dot_general3A_5 = tpu.matmul %get3A_1, %get3A_4, %dot_general3A {dimension_numbers = #tpu.dot_dimension_numbers<[1], [0], [0], [1], [0, 0, 1, 1], [], []>, transpose_lhs_hint = false} : vector<8192x128xf32>, vector<128x128xf32>, vector<8192x128xf32> -> vector<8192x128xf32>
    %get3A_6 = arith.constant 0 : index
    %get3A_7 = arith.constant 0 : index
    %get3A_8 = vector.load %arg3[%get3A_6, %get3A_7] : memref<1x128xf32, #tpu.memory_space<vmem>>, vector<1x128xf32>
    %add3A = vector.broadcast %get3A_8 : vector<1x128xf32> to vector<8192x128xf32>
    %add3A_9 = arith.addf %dot_general3A_5, %add3A : vector<8192x128xf32>
    %ge3A = arith.constant 0.000000e+00 : f32
    %ge3A_10 = vector.broadcast %ge3A : f32 to vector<8192x128xf32>
    %ge3A_11 = arith.cmpf oge, %add3A_9, %ge3A_10 : vector<8192x128xf32>
    %mul3A = arith.constant 2.000000e-01 : f32
    %mul3A_12 = vector.broadcast %mul3A : f32 to vector<8192x128xf32>
    %mul3A_13 = arith.mulf %mul3A_12, %add3A_9 : vector<8192x128xf32>
    %select_n3A = arith.select %ge3A_11, %add3A_9, %mul3A_13 : vector<8192x128xi1>, vector<8192x128xf32>
    %swap3A = arith.constant 0 : index
    %swap3A_14 = arith.constant 0 : index
    %swap3A_15 = vector.load %arg4[%swap3A, %swap3A_14] : memref<8192x128xf32, #tpu.memory_space<vmem>>, vector<8192x128xf32>
    tpu.vector_store %arg4[%swap3A, %swap3A_14], %select_n3A {strides = array<i32>} : memref<8192x128xf32, #tpu.memory_space<vmem>>, vector<8192x128xf32>,
    return
  }
  func.func @transform_0(%arg0: i32) -> (i32, i32) {
    %c0_i32 = arith.constant 0 : i32
    %c0_i32_0 = arith.constant 0 : i32
    return %arg0, %c0_i32 : i32, i32
  }
  func.func @transform_1(%arg0: i32) -> (i32, i32) {
    %c0_i32 = arith.constant 0 : i32
    %c0_i32_0 = arith.constant 0 : i32
    %c0_i32_1 = arith.constant 0 : i32
    return %c0_i32, %c0_i32_0 : i32, i32
  }
  func.func @transform_2(%arg0: i32) -> (i32, i32) {
    %c0_i32 = arith.constant 0 : i32
    %c0_i32_0 = arith.constant 0 : i32
    %c0_i32_1 = arith.constant 0 : i32
    return %c0_i32, %c0_i32_0 : i32, i32
  }
  func.func @transform_3(%arg0: i32) -> (i32, i32) {
    %c0_i32 = arith.constant 0 : i32
    %c0_i32_0 = arith.constant 0 : i32
    return %arg0, %c0_i32 : i32, i32
  }
}

module attributes {stable_mosaic.version = 14 : i64} {
  func.func @_lin_leaky_body(%arg0: i32, %arg1: memref<8192x256xf32, #tpu.memory_space<vmem>>, %arg2: memref<256x128xf32, #tpu.memory_space<vmem>>, %arg3: memref<1x128xf32, #tpu.memory_space<vmem>>, %arg4: memref<8192x128xf32, #tpu.memory_space<vmem>>) attributes {dimension_semantics = [#tpu.dimension_semantics<arbitrary>], iteration_bounds = array<i64: 2>, scalar_prefetch = 0 : i64, scratch_operands = 0 : i64, tpu.core_type = #tpu.core_type<tc>, window_params = [{transform_indices = @transform_0, window_bounds = array<i64: 8192, 256>}, {pipeline_mode = #tpu.pipeline_mode<synchronous>, transform_indices = @transform_1, window_bounds = array<i64: 256, 128>}, {pipeline_mode = #tpu.pipeline_mode<synchronous>, transform_indices = @transform_2, window_bounds = array<i64: 1, 128>}, {transform_indices = @transform_3, window_bounds = array<i64: 8192, 128>}]} {
    %get3A = arith.constant 0 : index
    %get3A_0 = arith.constant 0 : index
    %get3A_1 = vector.load %arg1[%get3A, %get3A_0] : memref<8192x256xf32, #tpu.memory_space<vmem>>, vector<8192x256xf32>
    %get3A_2 = arith.constant 0 : index
    %get3A_3 = arith.constant 0 : index
    %get3A_4 = vector.load %arg2[%get3A_2, %get3A_3] : memref<256x128xf32, #tpu.memory_space<vmem>>, vector<256x128xf32>
    %dot_general3A = arith.constant dense<0.000000e+00> : vector<8192x128xf32>
    %dot_general3A_5 = tpu.matmul %get3A_1, %get3A_4, %dot_general3A {dimension_numbers = #tpu.dot_dimension_numbers<[1], [0], [0], [1], [0, 0, 1, 1], [], []>, transpose_lhs_hint = false} : vector<8192x256xf32>, vector<256x128xf32>, vector<8192x128xf32> -> vector<8192x128xf32>
    %get3A_6 = arith.constant 0 : index
    %get3A_7 = arith.constant 0 : index
    %get3A_8 = vector.load %arg3[%get3A_6, %get3A_7] : memref<1x128xf32, #tpu.memory_space<vmem>>, vector<1x128xf32>
    %add3A = vector.broadcast %get3A_8 : vector<1x128xf32> to vector<8192x128xf32>
    %add3A_9 = arith.addf %dot_general3A_5, %add3A : vector<8192x128xf32>
    %ge3A = arith.constant 0.000000e+00 : f32
    %ge3A_10 = vector.broadcast %ge3A : f32 to vector<8192x128xf32>
    %ge3A_11 = arith.cmpf oge, %add3A_9, %ge3A_10 : vector<8192x128xf32>
    %mul3A = arith.constant 2.000000e-01 : f32
    %mul3A_12 = vector.broadcast %mul3A : f32 to vector<8192x128xf32>
    %mul3A_13 = arith.mulf %mul3A_12, %add3A_9 : vector<8192x128xf32>
    %select_n3A = arith.select %ge3A_11, %add3A_9, %mul3A_13 : vector<8192x128xi1>, vector<8192x128xf32>
    %swap3A = arith.constant 0 : index
    %swap3A_14 = arith.constant 0 : index
    %swap3A_15 = vector.load %arg4[%swap3A, %swap3A_14] : memref<8192x128xf32, #tpu.memory_space<vmem>>, vector<8192x128xf32>
    tpu.vector_store %arg4[%swap3A, %swap3A_14], %select_n3A {strides = array<i32>} : memref<8192x128xf32, #tpu.memory_space<vmem>>, vector<8192x128xf32>,
    return
  }
  func.func @transform_0(%arg0: i32) -> (i32, i32) {
    %c0_i32 = arith.constant 0 : i32
    %c0_i32_0 = arith.constant 0 : i32
    return %arg0, %c0_i32 : i32, i32
  }
  func.func @transform_1(%arg0: i32) -> (i32, i32) {
    %c0_i32 = arith.constant 0 : i32
    %c0_i32_0 = arith.constant 0 : i32
    %c0_i32_1 = arith.constant 0 : i32
    return %c0_i32, %c0_i32_0 : i32, i32
  }
  func.func @transform_2(%arg0: i32) -> (i32, i32) {
    %c0_i32 = arith.constant 0 : i32
    %c0_i32_0 = arith.constant 0 : i32
    %c0_i32_1 = arith.constant 0 : i32
    return %c0_i32, %c0_i32_0 : i32, i32
  }
  func.func @transform_3(%arg0: i32) -> (i32, i32) {
    %c0_i32 = arith.constant 0 : i32
    %c0_i32_0 = arith.constant 0 : i32
    return %arg0, %c0_i32 : i32, i32
  }
}

module attributes {stable_mosaic.version = 14 : i64} {
  func.func @_lin_leaky_body(%arg0: i32, %arg1: memref<8192x128xf32, #tpu.memory_space<vmem>>, %arg2: memref<128x64xf32, #tpu.memory_space<vmem>>, %arg3: memref<1x64xf32, #tpu.memory_space<vmem>>, %arg4: memref<8192x64xf32, #tpu.memory_space<vmem>>) attributes {dimension_semantics = [#tpu.dimension_semantics<arbitrary>], iteration_bounds = array<i64: 2>, scalar_prefetch = 0 : i64, scratch_operands = 0 : i64, tpu.core_type = #tpu.core_type<tc>, window_params = [{transform_indices = @transform_0, window_bounds = array<i64: 8192, 128>}, {pipeline_mode = #tpu.pipeline_mode<synchronous>, transform_indices = @transform_1, window_bounds = array<i64: 128, 64>}, {pipeline_mode = #tpu.pipeline_mode<synchronous>, transform_indices = @transform_2, window_bounds = array<i64: 1, 64>}, {transform_indices = @transform_3, window_bounds = array<i64: 8192, 64>}]} {
    %get3A = arith.constant 0 : index
    %get3A_0 = arith.constant 0 : index
    %get3A_1 = vector.load %arg1[%get3A, %get3A_0] : memref<8192x128xf32, #tpu.memory_space<vmem>>, vector<8192x128xf32>
    %get3A_2 = arith.constant 0 : index
    %get3A_3 = arith.constant 0 : index
    %get3A_4 = vector.load %arg2[%get3A_2, %get3A_3] : memref<128x64xf32, #tpu.memory_space<vmem>>, vector<128x64xf32>
    %dot_general3A = arith.constant dense<0.000000e+00> : vector<8192x64xf32>
    %dot_general3A_5 = tpu.matmul %get3A_1, %get3A_4, %dot_general3A {dimension_numbers = #tpu.dot_dimension_numbers<[1], [0], [0], [1], [0, 0, 1, 1], [], []>, transpose_lhs_hint = false} : vector<8192x128xf32>, vector<128x64xf32>, vector<8192x64xf32> -> vector<8192x64xf32>
    %get3A_6 = arith.constant 0 : index
    %get3A_7 = arith.constant 0 : index
    %get3A_8 = vector.load %arg3[%get3A_6, %get3A_7] : memref<1x64xf32, #tpu.memory_space<vmem>>, vector<1x64xf32>
    %add3A = vector.broadcast %get3A_8 : vector<1x64xf32> to vector<8192x64xf32>
    %add3A_9 = arith.addf %dot_general3A_5, %add3A : vector<8192x64xf32>
    %ge3A = arith.constant 0.000000e+00 : f32
    %ge3A_10 = vector.broadcast %ge3A : f32 to vector<8192x64xf32>
    %ge3A_11 = arith.cmpf oge, %add3A_9, %ge3A_10 : vector<8192x64xf32>
    %mul3A = arith.constant 2.000000e-01 : f32
    %mul3A_12 = vector.broadcast %mul3A : f32 to vector<8192x64xf32>
    %mul3A_13 = arith.mulf %mul3A_12, %add3A_9 : vector<8192x64xf32>
    %select_n3A = arith.select %ge3A_11, %add3A_9, %mul3A_13 : vector<8192x64xi1>, vector<8192x64xf32>
    %swap3A = arith.constant 0 : index
    %swap3A_14 = arith.constant 0 : index
    %swap3A_15 = vector.load %arg4[%swap3A, %swap3A_14] : memref<8192x64xf32, #tpu.memory_space<vmem>>, vector<8192x64xf32>
    tpu.vector_store %arg4[%swap3A, %swap3A_14], %select_n3A {strides = array<i32>} : memref<8192x64xf32, #tpu.memory_space<vmem>>, vector<8192x64xf32>,
    return
  }
  func.func @transform_0(%arg0: i32) -> (i32, i32) {
    %c0_i32 = arith.constant 0 : i32
    %c0_i32_0 = arith.constant 0 : i32
    return %arg0, %c0_i32 : i32, i32
  }
  func.func @transform_1(%arg0: i32) -> (i32, i32) {
    %c0_i32 = arith.constant 0 : i32
    %c0_i32_0 = arith.constant 0 : i32
    %c0_i32_1 = arith.constant 0 : i32
    return %c0_i32, %c0_i32_0 : i32, i32
  }
  func.func @transform_2(%arg0: i32) -> (i32, i32) {
    %c0_i32 = arith.constant 0 : i32
    %c0_i32_0 = arith.constant 0 : i32
    %c0_i32_1 = arith.constant 0 : i32
    return %c0_i32, %c0_i32_0 : i32, i32
  }
  func.func @transform_3(%arg0: i32) -> (i32, i32) {
    %c0_i32 = arith.constant 0 : i32
    %c0_i32_0 = arith.constant 0 : i32
    return %arg0, %c0_i32 : i32, i32
  }
}

module attributes {stable_mosaic.version = 14 : i64} {
  func.func @_lin_body(%arg0: i32, %arg1: memref<8192x64xf32, #tpu.memory_space<vmem>>, %arg2: memref<64x128xf32, #tpu.memory_space<vmem>>, %arg3: memref<1x128xf32, #tpu.memory_space<vmem>>, %arg4: memref<8192x128xf32, #tpu.memory_space<vmem>>) attributes {dimension_semantics = [#tpu.dimension_semantics<arbitrary>], iteration_bounds = array<i64: 2>, scalar_prefetch = 0 : i64, scratch_operands = 0 : i64, tpu.core_type = #tpu.core_type<tc>, window_params = [{transform_indices = @transform_0, window_bounds = array<i64: 8192, 64>}, {pipeline_mode = #tpu.pipeline_mode<synchronous>, transform_indices = @transform_1, window_bounds = array<i64: 64, 128>}, {pipeline_mode = #tpu.pipeline_mode<synchronous>, transform_indices = @transform_2, window_bounds = array<i64: 1, 128>}, {transform_indices = @transform_3, window_bounds = array<i64: 8192, 128>}]} {
    %get3A = arith.constant 0 : index
    %get3A_0 = arith.constant 0 : index
    %get3A_1 = vector.load %arg1[%get3A, %get3A_0] : memref<8192x64xf32, #tpu.memory_space<vmem>>, vector<8192x64xf32>
    %get3A_2 = arith.constant 0 : index
    %get3A_3 = arith.constant 0 : index
    %get3A_4 = vector.load %arg2[%get3A_2, %get3A_3] : memref<64x128xf32, #tpu.memory_space<vmem>>, vector<64x128xf32>
    %dot_general3A = arith.constant dense<0.000000e+00> : vector<8192x128xf32>
    %dot_general3A_5 = tpu.matmul %get3A_1, %get3A_4, %dot_general3A {dimension_numbers = #tpu.dot_dimension_numbers<[1], [0], [0], [1], [0, 0, 1, 1], [], []>, transpose_lhs_hint = false} : vector<8192x64xf32>, vector<64x128xf32>, vector<8192x128xf32> -> vector<8192x128xf32>
    %get3A_6 = arith.constant 0 : index
    %get3A_7 = arith.constant 0 : index
    %get3A_8 = vector.load %arg3[%get3A_6, %get3A_7] : memref<1x128xf32, #tpu.memory_space<vmem>>, vector<1x128xf32>
    %add3A = vector.broadcast %get3A_8 : vector<1x128xf32> to vector<8192x128xf32>
    %add3A_9 = arith.addf %dot_general3A_5, %add3A : vector<8192x128xf32>
    %swap3A = arith.constant 0 : index
    %swap3A_10 = arith.constant 0 : index
    %swap3A_11 = vector.load %arg4[%swap3A, %swap3A_10] : memref<8192x128xf32, #tpu.memory_space<vmem>>, vector<8192x128xf32>
    tpu.vector_store %arg4[%swap3A, %swap3A_10], %add3A_9 {strides = array<i32>} : memref<8192x128xf32, #tpu.memory_space<vmem>>, vector<8192x128xf32>,
    return
  }
  func.func @transform_0(%arg0: i32) -> (i32, i32) {
    %c0_i32 = arith.constant 0 : i32
    %c0_i32_0 = arith.constant 0 : i32
    return %arg0, %c0_i32 : i32, i32
  }
  func.func @transform_1(%arg0: i32) -> (i32, i32) {
    %c0_i32 = arith.constant 0 : i32
    %c0_i32_0 = arith.constant 0 : i32
    %c0_i32_1 = arith.constant 0 : i32
    return %c0_i32, %c0_i32_0 : i32, i32
  }
  func.func @transform_2(%arg0: i32) -> (i32, i32) {
    %c0_i32 = arith.constant 0 : i32
    %c0_i32_0 = arith.constant 0 : i32
    %c0_i32_1 = arith.constant 0 : i32
    return %c0_i32, %c0_i32_0 : i32, i32
  }
  func.func @transform_3(%arg0: i32) -> (i32, i32) {
    %c0_i32 = arith.constant 0 : i32
    %c0_i32_0 = arith.constant 0 : i32
    return %arg0, %c0_i32 : i32, i32
  }
}

module attributes {stable_mosaic.version = 14 : i64} {
  func.func @_sim_body(%arg0: i32, %arg1: i32, %arg2: memref<1024x128xf32, #tpu.memory_space<vmem>>, %arg3: memref<128x1024xf32, #tpu.memory_space<vmem>>, %arg4: memref<1024x1xi32, #tpu.memory_space<vmem>>, %arg5: memref<1024x1xf32, #tpu.memory_space<vmem>>, %arg6: memref<1024x1xf32, #tpu.memory_space<vmem>>, %arg7: memref<1024x1xi32, #tpu.memory_space<vmem>>) attributes {dimension_semantics = [#tpu.dimension_semantics<parallel>, #tpu.dimension_semantics<arbitrary>], iteration_bounds = array<i64: 8, 8>, scalar_prefetch = 0 : i64, scratch_operands = 2 : i64, tpu.core_type = #tpu.core_type<tc>, window_params = [{transform_indices = @transform_0, window_bounds = array<i64: 1024, 128>}, {transform_indices = @transform_1, window_bounds = array<i64: 128, 1024>}, {transform_indices = @transform_2, window_bounds = array<i64: 1024, 1>}, {transform_indices = @transform_3, window_bounds = array<i64: 1024, 1>}]} {
    %get3A = arith.constant 0 : index
    %get3A_0 = arith.constant 0 : index
    %get3A_1 = vector.load %arg2[%get3A, %get3A_0] : memref<1024x128xf32, #tpu.memory_space<vmem>>, vector<1024x128xf32>
    %get3A_2 = arith.constant 0 : index
    %get3A_3 = arith.constant 0 : index
    %get3A_4 = vector.load %arg3[%get3A_2, %get3A_3] : memref<128x1024xf32, #tpu.memory_space<vmem>>, vector<128x1024xf32>
    %dot_general3A = arith.constant dense<0.000000e+00> : vector<1024x1024xf32>
    %dot_general3A_5 = tpu.matmul %get3A_1, %get3A_4, %dot_general3A {dimension_numbers = #tpu.dot_dimension_numbers<[1], [0], [0], [1], [0, 0, 1, 1], [], []>, transpose_lhs_hint = false} : vector<1024x128xf32>, vector<128x1024xf32>, vector<1024x1024xf32> -> vector<1024x1024xf32>
    %reduce_max3A = arith.constant dense<0xFF800000> : vector<1024xf32>
    %reduce_max3A_6 = vector.multi_reduction <maximumf>, %dot_general3A_5, %reduce_max3A [1] : vector<1024x1024xf32> to vector<1024xf32>
    %broadcast_in_dim3A = vector.shape_cast %reduce_max3A_6 : vector<1024xf32> to vector<1024x1xf32>
    %iota3A = tpu.iota {dimensions = array<i32: 1>} : vector<1024x1024xi32>
    %mul3A = arith.constant 1024 : i32
    %mul3A_7 = arith.muli %arg1, %mul3A : i32
    %add3A = vector.broadcast %mul3A_7 : i32 to vector<1024x1024xi32>
    %add3A_8 = arith.addi %iota3A, %add3A : vector<1024x1024xi32>
    %eq3A = vector.broadcast %broadcast_in_dim3A : vector<1024x1xf32> to vector<1024x1024xf32>
    %eq3A_9 = arith.cmpf oeq, %dot_general3A_5, %eq3A : vector<1024x1024xf32>
    %jit3A = arith.constant 1073741824 : i32
    %broadcast_in_dim3A_10 = vector.broadcast %jit3A : i32 to vector<1024x1024xi32>
    %select_n3A = arith.select %eq3A_9, %add3A_8, %broadcast_in_dim3A_10 : vector<1024x1024xi1>, vector<1024x1024xi32>
    %reduce_min3A = arith.constant dense<2147483647> : vector<1024xi32>
    %reduce_min3A_11 = vector.multi_reduction <minsi>, %select_n3A, %reduce_min3A [1] : vector<1024x1024xi32> to vector<1024xi32>
    %broadcast_in_dim3A_12 = vector.shape_cast %reduce_min3A_11 : vector<1024xi32> to vector<1024x1xi32>
    %eq3A_13 = arith.constant 0 : i32
    %eq3A_14 = arith.cmpi eq, %arg1, %eq3A_13 : i32
    %convert_element_type3A = arith.extui %eq3A_14 : i1 to i32
    %cond3A = arith.constant 0 : i32
    %cond3A_15 = arith.cmpi ne, %convert_element_type3A, %cond3A : i32
    scf.if %cond3A_15 {
      %swap3A = arith.constant 0 : index
      %swap3A_25 = arith.constant 0 : index
      %swap3A_26 = vector.load %arg6[%swap3A, %swap3A_25] : memref<1024x1xf32, #tpu.memory_space<vmem>>, vector<1024x1xf32>
      tpu.vector_store %arg6[%swap3A, %swap3A_25], %broadcast_in_dim3A {strides = array<i32>} : memref<1024x1xf32, #tpu.memory_space<vmem>>, vector<1024x1xf32>,
      %swap3A_27 = arith.constant 0 : index
      %swap3A_28 = arith.constant 0 : index
      %swap3A_29 = vector.load %arg7[%swap3A_27, %swap3A_28] : memref<1024x1xi32, #tpu.memory_space<vmem>>, vector<1024x1xi32>
      tpu.vector_store %arg7[%swap3A_27, %swap3A_28], %broadcast_in_dim3A_12 {strides = array<i32>} : memref<1024x1xi32, #tpu.memory_space<vmem>>, vector<1024x1xi32>,
    } else {
    }
    %gt3A = arith.constant 0 : i32
    %gt3A_16 = arith.cmpi sgt, %arg1, %gt3A : i32
    %convert_element_type3A_17 = arith.extui %gt3A_16 : i1 to i32
    %cond3A_18 = arith.constant 0 : i32
    %cond3A_19 = arith.cmpi ne, %convert_element_type3A_17, %cond3A_18 : i32
    scf.if %cond3A_19 {
      %get3A_25 = arith.constant 0 : index
      %get3A_26 = arith.constant 0 : index
      %get3A_27 = vector.load %arg6[%get3A_25, %get3A_26] : memref<1024x1xf32, #tpu.memory_space<vmem>>, vector<1024x1xf32>
      %gt3A_28 = arith.cmpf ogt, %broadcast_in_dim3A, %get3A_27 : vector<1024x1xf32>
      %get3A_29 = arith.constant 0 : index
      %get3A_30 = arith.constant 0 : index
      %get3A_31 = vector.load %arg7[%get3A_29, %get3A_30] : memref<1024x1xi32, #tpu.memory_space<vmem>>, vector<1024x1xi32>
      %select_n3A_32 = arith.select %gt3A_28, %broadcast_in_dim3A_12, %get3A_31 : vector<1024x1xi1>, vector<1024x1xi32>
      %swap3A = arith.constant 0 : index
      %swap3A_33 = arith.constant 0 : index
      %swap3A_34 = vector.load %arg7[%swap3A, %swap3A_33] : memref<1024x1xi32, #tpu.memory_space<vmem>>, vector<1024x1xi32>
      tpu.vector_store %arg7[%swap3A, %swap3A_33], %select_n3A_32 {strides = array<i32>} : memref<1024x1xi32, #tpu.memory_space<vmem>>, vector<1024x1xi32>,
      %select_n3A_35 = arith.select %gt3A_28, %broadcast_in_dim3A, %get3A_27 : vector<1024x1xi1>, vector<1024x1xf32>
      %swap3A_36 = arith.constant 0 : index
      %swap3A_37 = arith.constant 0 : index
      %swap3A_38 = vector.load %arg6[%swap3A_36, %swap3A_37] : memref<1024x1xf32, #tpu.memory_space<vmem>>, vector<1024x1xf32>
      tpu.vector_store %arg6[%swap3A_36, %swap3A_37], %select_n3A_35 {strides = array<i32>} : memref<1024x1xf32, #tpu.memory_space<vmem>>, vector<1024x1xf32>,
    } else {
    }
    %eq3A_20 = arith.constant 7 : i32
    %eq3A_21 = arith.cmpi eq, %arg1, %eq3A_20 : i32
    %convert_element_type3A_22 = arith.extui %eq3A_21 : i1 to i32
    %cond3A_23 = arith.constant 0 : i32
    %cond3A_24 = arith.cmpi ne, %convert_element_type3A_22, %cond3A_23 : i32
    scf.if %cond3A_24 {
      %get3A_25 = arith.constant 0 : index
      %get3A_26 = arith.constant 0 : index
      %get3A_27 = vector.load %arg7[%get3A_25, %get3A_26] : memref<1024x1xi32, #tpu.memory_space<vmem>>, vector<1024x1xi32>
      %swap3A = arith.constant 0 : index
      %swap3A_28 = arith.constant 0 : index
      %swap3A_29 = vector.load %arg4[%swap3A, %swap3A_28] : memref<1024x1xi32, #tpu.memory_space<vmem>>, vector<1024x1xi32>
      tpu.vector_store %arg4[%swap3A, %swap3A_28], %get3A_27 {strides = array<i32>} : memref<1024x1xi32, #tpu.memory_space<vmem>>, vector<1024x1xi32>,
      %get3A_30 = arith.constant 0 : index
      %get3A_31 = arith.constant 0 : index
      %get3A_32 = vector.load %arg6[%get3A_30, %get3A_31] : memref<1024x1xf32, #tpu.memory_space<vmem>>, vector<1024x1xf32>
      %swap3A_33 = arith.constant 0 : index
      %swap3A_34 = arith.constant 0 : index
      %swap3A_35 = vector.load %arg5[%swap3A_33, %swap3A_34] : memref<1024x1xf32, #tpu.memory_space<vmem>>, vector<1024x1xf32>
      tpu.vector_store %arg5[%swap3A_33, %swap3A_34], %get3A_32 {strides = array<i32>} : memref<1024x1xf32, #tpu.memory_space<vmem>>, vector<1024x1xf32>,
    } else {
    }
    return
  }
  func.func @transform_0(%arg0: i32, %arg1: i32) -> (i32, i32) {
    %c0_i32 = arith.constant 0 : i32
    %c0_i32_0 = arith.constant 0 : i32
    return %arg0, %c0_i32 : i32, i32
  }
  func.func @transform_1(%arg0: i32, %arg1: i32) -> (i32, i32) {
    %c0_i32 = arith.constant 0 : i32
    %c0_i32_0 = arith.constant 0 : i32
    return %c0_i32, %arg1 : i32, i32
  }
  func.func @transform_2(%arg0: i32, %arg1: i32) -> (i32, i32) {
    %c0_i32 = arith.constant 0 : i32
    %c0_i32_0 = arith.constant 0 : i32
    return %arg0, %c0_i32 : i32, i32
  }
  func.func @transform_3(%arg0: i32, %arg1: i32) -> (i32, i32) {
    %c0_i32 = arith.constant 0 : i32
    %c0_i32_0 = arith.constant 0 : i32
    return %arg0, %c0_i32 : i32, i32
  }
}

module attributes {stable_mosaic.version = 14 : i64} {
  func.func @_lin_leaky_body(%arg0: i32, %arg1: memref<8192x264xf32, #tpu.memory_space<vmem>>, %arg2: memref<264x64xf32, #tpu.memory_space<vmem>>, %arg3: memref<1x64xf32, #tpu.memory_space<vmem>>, %arg4: memref<8192x64xf32, #tpu.memory_space<vmem>>) attributes {dimension_semantics = [#tpu.dimension_semantics<arbitrary>], iteration_bounds = array<i64: 1>, scalar_prefetch = 0 : i64, scratch_operands = 0 : i64, tpu.core_type = #tpu.core_type<tc>, window_params = [{transform_indices = @transform_0, window_bounds = array<i64: 8192, 264>}, {pipeline_mode = #tpu.pipeline_mode<synchronous>, transform_indices = @transform_1, window_bounds = array<i64: 264, 64>}, {pipeline_mode = #tpu.pipeline_mode<synchronous>, transform_indices = @transform_2, window_bounds = array<i64: 1, 64>}, {transform_indices = @transform_3, window_bounds = array<i64: 8192, 64>}]} {
    %get3A = arith.constant 0 : index
    %get3A_0 = arith.constant 0 : index
    %get3A_1 = vector.load %arg1[%get3A, %get3A_0] : memref<8192x264xf32, #tpu.memory_space<vmem>>, vector<8192x264xf32>
    %get3A_2 = arith.constant 0 : index
    %get3A_3 = arith.constant 0 : index
    %get3A_4 = vector.load %arg2[%get3A_2, %get3A_3] : memref<264x64xf32, #tpu.memory_space<vmem>>, vector<264x64xf32>
    %dot_general3A = arith.constant dense<0.000000e+00> : vector<8192x64xf32>
    %dot_general3A_5 = tpu.matmul %get3A_1, %get3A_4, %dot_general3A {dimension_numbers = #tpu.dot_dimension_numbers<[1], [0], [0], [1], [0, 0, 1, 1], [], []>, transpose_lhs_hint = false} : vector<8192x264xf32>, vector<264x64xf32>, vector<8192x64xf32> -> vector<8192x64xf32>
    %get3A_6 = arith.constant 0 : index
    %get3A_7 = arith.constant 0 : index
    %get3A_8 = vector.load %arg3[%get3A_6, %get3A_7] : memref<1x64xf32, #tpu.memory_space<vmem>>, vector<1x64xf32>
    %add3A = vector.broadcast %get3A_8 : vector<1x64xf32> to vector<8192x64xf32>
    %add3A_9 = arith.addf %dot_general3A_5, %add3A : vector<8192x64xf32>
    %ge3A = arith.constant 0.000000e+00 : f32
    %ge3A_10 = vector.broadcast %ge3A : f32 to vector<8192x64xf32>
    %ge3A_11 = arith.cmpf oge, %add3A_9, %ge3A_10 : vector<8192x64xf32>
    %mul3A = arith.constant 2.000000e-01 : f32
    %mul3A_12 = vector.broadcast %mul3A : f32 to vector<8192x64xf32>
    %mul3A_13 = arith.mulf %mul3A_12, %add3A_9 : vector<8192x64xf32>
    %select_n3A = arith.select %ge3A_11, %add3A_9, %mul3A_13 : vector<8192x64xi1>, vector<8192x64xf32>
    %swap3A = arith.constant 0 : index
    %swap3A_14 = arith.constant 0 : index
    %swap3A_15 = vector.load %arg4[%swap3A, %swap3A_14] : memref<8192x64xf32, #tpu.memory_space<vmem>>, vector<8192x64xf32>
    tpu.vector_store %arg4[%swap3A, %swap3A_14], %select_n3A {strides = array<i32>} : memref<8192x64xf32, #tpu.memory_space<vmem>>, vector<8192x64xf32>,
    return
  }
  func.func @transform_0(%arg0: i32) -> (i32, i32) {
    %c0_i32 = arith.constant 0 : i32
    %c0_i32_0 = arith.constant 0 : i32
    return %arg0, %c0_i32 : i32, i32
  }
  func.func @transform_1(%arg0: i32) -> (i32, i32) {
    %c0_i32 = arith.constant 0 : i32
    %c0_i32_0 = arith.constant 0 : i32
    %c0_i32_1 = arith.constant 0 : i32
    return %c0_i32, %c0_i32_0 : i32, i32
  }
  func.func @transform_2(%arg0: i32) -> (i32, i32) {
    %c0_i32 = arith.constant 0 : i32
    %c0_i32_0 = arith.constant 0 : i32
    %c0_i32_1 = arith.constant 0 : i32
    return %c0_i32, %c0_i32_0 : i32, i32
  }
  func.func @transform_3(%arg0: i32) -> (i32, i32) {
    %c0_i32 = arith.constant 0 : i32
    %c0_i32_0 = arith.constant 0 : i32
    return %arg0, %c0_i32 : i32, i32
  }
}

module attributes {stable_mosaic.version = 14 : i64} {
  func.func @_lin_body(%arg0: i32, %arg1: memref<8192x64xf32, #tpu.memory_space<vmem>>, %arg2: memref<64x1xf32, #tpu.memory_space<vmem>>, %arg3: memref<1x1xf32, #tpu.memory_space<vmem>>, %arg4: memref<8192x1xf32, #tpu.memory_space<vmem>>) attributes {dimension_semantics = [#tpu.dimension_semantics<arbitrary>], iteration_bounds = array<i64: 1>, scalar_prefetch = 0 : i64, scratch_operands = 0 : i64, tpu.core_type = #tpu.core_type<tc>, window_params = [{transform_indices = @transform_0, window_bounds = array<i64: 8192, 64>}, {pipeline_mode = #tpu.pipeline_mode<synchronous>, transform_indices = @transform_1, window_bounds = array<i64: 64, 1>}, {pipeline_mode = #tpu.pipeline_mode<synchronous>, transform_indices = @transform_2, window_bounds = array<i64: 1, 1>}, {transform_indices = @transform_3, window_bounds = array<i64: 8192, 1>}]} {
    %get3A = arith.constant 0 : index
    %get3A_0 = arith.constant 0 : index
    %get3A_1 = vector.load %arg1[%get3A, %get3A_0] : memref<8192x64xf32, #tpu.memory_space<vmem>>, vector<8192x64xf32>
    %get3A_2 = arith.constant 0 : index
    %get3A_3 = arith.constant 0 : index
    %get3A_4 = vector.load %arg2[%get3A_2, %get3A_3] : memref<64x1xf32, #tpu.memory_space<vmem>>, vector<64x1xf32>
    %dot_general3A = arith.constant dense<0.000000e+00> : vector<8192x1xf32>
    %dot_general3A_5 = tpu.matmul %get3A_1, %get3A_4, %dot_general3A {dimension_numbers = #tpu.dot_dimension_numbers<[1], [0], [0], [1], [0, 0, 1, 1], [], []>, transpose_lhs_hint = false} : vector<8192x64xf32>, vector<64x1xf32>, vector<8192x1xf32> -> vector<8192x1xf32>
    %get3A_6 = arith.constant 0 : index
    %get3A_7 = arith.constant 0 : index
    %get3A_8 = vector.load %arg3[%get3A_6, %get3A_7] : memref<1x1xf32, #tpu.memory_space<vmem>>, vector<1x1xf32>
    %add3A = vector.broadcast %get3A_8 : vector<1x1xf32> to vector<8192x1xf32>
    %add3A_9 = arith.addf %dot_general3A_5, %add3A : vector<8192x1xf32>
    %swap3A = arith.constant 0 : index
    %swap3A_10 = arith.constant 0 : index
    %swap3A_11 = vector.load %arg4[%swap3A, %swap3A_10] : memref<8192x1xf32, #tpu.memory_space<vmem>>, vector<8192x1xf32>
    tpu.vector_store %arg4[%swap3A, %swap3A_10], %add3A_9 {strides = array<i32>} : memref<8192x1xf32, #tpu.memory_space<vmem>>, vector<8192x1xf32>,
    return
  }
  func.func @transform_0(%arg0: i32) -> (i32, i32) {
    %c0_i32 = arith.constant 0 : i32
    %c0_i32_0 = arith.constant 0 : i32
    return %arg0, %c0_i32 : i32, i32
  }
  func.func @transform_1(%arg0: i32) -> (i32, i32) {
    %c0_i32 = arith.constant 0 : i32
    %c0_i32_0 = arith.constant 0 : i32
    %c0_i32_1 = arith.constant 0 : i32
    return %c0_i32, %c0_i32_0 : i32, i32
  }
  func.func @transform_2(%arg0: i32) -> (i32, i32) {
    %c0_i32 = arith.constant 0 : i32
    %c0_i32_0 = arith.constant 0 : i32
    %c0_i32_1 = arith.constant 0 : i32
    return %c0_i32, %c0_i32_0 : i32, i32
  }
  func.func @transform_3(%arg0: i32) -> (i32, i32) {
    %c0_i32 = arith.constant 0 : i32
    %c0_i32_0 = arith.constant 0 : i32
    return %arg0, %c0_i32 : i32, i32
  }
}

</mosaic_0001>

<sc_bundles>
// kernel: kernel.13.cloned.1.call-start
scs
__scs_entry_jumppad:
0x0: {  	(pc) =	sbr.rel $0x88, $3  }
0x1: {  	(tag) =	ssettag $0x0;
	lr =	simm.s32 $0x1  }
0x2: {  	[smem:$0x3F7F] =	sst lr;
	_ =	strace $0xD0000000  }
0x3: {  	_ = 	snop  }
0x4: {  	_ = 	snop  }
0x5: {  	_ = 	snop  }
0x6: {  	_ = 	snop  }
0x7: {  	_ = 	snop  }
__scs_overlays_trampoline_lowered:
0x8: {  	[smem:$0x3F8E] =	sst s0  }
0x9: {  	[smem:$0x3F8F] =	sst s1  }
0xa: {  	[smem:$0x3F90] =	sst s2  }
0xb: {  	[smem:$0x3F91] =	sst s3  }
0xc: {  	[smem:$0x3F92] =	sst s4  }
0xd: {  	[smem:$0x3F93] =	sst s5  }
0xe: {  	[smem:$0x3F94] =	sst s6  }
0xf: {  	[smem:$0x3F95] =	sst s7  }
0x10: {  	[smem:$0x3F96] =	sst s8  }
0x11: {  	[smem:$0x3F97] =	sst s9;
	s0 =	simm.s32 @!p0 $0x0  }
0x12: {  	s1 =	sld [smem:$0x3F7D];
	s0 =	simm.s32 @p0 $0x1  }
0x13: {  	[smem:$0x3F98] =	sst s0;
	s0 =	simm.s32 @!p1 $0x0  }
0x14: {  	s2 =	sld [smem:$0x3F7C];
	s0 =	simm.s32 @p1 $0x1  }
0x15: {  	[smem:$0x3F99] =	sst s0;
	s0 =	simm.s32 @!p2 $0x0  }
0x16: {  	s3 =	sld [smem:$0x3FDB];
	s0 =	simm.s32 @p2 $0x1  }
0x17: {  	s4 =	simm.s32 $0x1BF5;
	[smem:$0x3F9B] =	sst s0  }
0x18: {  	s0 =	sld [smem:$0x3F7E];
	_ =	swait.ge [sflag:s4], $0x0  }
0x19: {  	s7 =	sld [smem:$0x3F7F]  }
0x1a: {  	s8 =	sadd.s32 $0xFFFFE003, lr  }
0x1b: {  	s9 =	sadd.s32 $0xFFFFFEF7, lr;
	s5 =	simm.s32 $0xFFFFFFFF;
	p2 =	slt.u32 s8, $0xFFFFF086  }
0x1c: {  	p1 =	slt.u32 s9, $0xF7A;
	s5 =	simm.s32 @!p2 $0x0  }
0x1d: {  	s5 =	simm.s32 @p1 $0x1;
	p0 =	seq.s32 s7, s2  }
0x1e: {  	s7 =	smul.u32 @!p0 $0xF7A, s2;
	p2 =	seq.s32 @!p0 s5, $0x0  }
0x1f: {  	s9 =	smul.u32 $0xF7A, s1;
	s8 =	simm.s32 @!p0 $0x1BF5;
	p2 =	por !p2, p0  }
0x20: {  	[sflag:s8] =	ssyncset.s32 @!p0 $0xFFFFF086;
	s6 =	sadd.s32 @!p0 s3, s7;
	s7 =	simm.s32 @!p0 $0x108  }
0x21: {  	s3 =	sadd.s32 s3, s9;
	s6 =	sadd.s32 @!p0 $0x88, s6;
	s7 =	simm.s32 @p2 $0x1082  }
0x22: {  	[simem:s7], [sflag:s8] =	dma.local @!p0 [hbm:s6], $0xF7A  }
0x23: {  	s9 =	sor.u32 $0xD0000000, s2;
	s6 =	simm.s32 $0x108;
	_ =	swait.ge @!p0 [sflag:s8], $0x0  }
0x24: {  	s3 =	sadd.s32 $0x88, s3;
	s6 =	simm.s32 @!p1 $0x1082;
	[sflag:s4] =	ssyncset.s32 $0xFFFFF086  }
0x25: {  	[simem:s6], [sflag:s4] =	dma.local [hbm:s3], $0xF7A  }
0x26: {  	[smem:$0x3F7F] =	sst s1;
	(tag) =	ssettag s2;
	_ =	strace s9  }
0x27: {  	s1 =	sld [smem:$0x3F8F]  }
0x28: {  	s2 =	sld [smem:$0x3F90]  }
0x29: {  	s4 =	sld [smem:$0x3F92]  }
0x2a: {  	p0 =	seq.s32 s5, $0x0;
	s5 =	sld [smem:$0x3F93]  }
0x2b: {  	s6 =	sld [smem:$0x3F94]  }
0x2c: {  	s7 =	sld [smem:$0x3F95]  }
0x2d: {  	s3 =	simm.s32 $0x108;
	s8 =	sld [smem:$0x3F96]  }
0x2e: {  	s3 =	simm.s32 @!p0 $0x1082;
	s9 =	sld [smem:$0x3F97]  }
0x2f: {  	lr =	sadd.s32 s0, s3;
	s0 =	sld [smem:$0x3F8E]  }
0x30: {  	s3 =	sld [smem:$0x3F91]  }
0x31: {  	[smem:$0x3F9A] =	sst s10  }
0x32: {  	s10 =	sld [smem:$0x3F98];
	_ =	sdelay $0x3  }
0x33: {  	p0 =	seq.s32 s10, $0x1;
	s10 =	sld [smem:$0x3F9A];
	_ =	sdelay $0x3  }
0x34: {  	[smem:$0x3F9A] =	sst s10  }
0x35: {  	s10 =	sld [smem:$0x3F99];
	_ =	sdelay $0x3  }
0x36: {  	p1 =	seq.s32 s10, $0x1;
	s10 =	sld [smem:$0x3F9A];
	_ =	sdelay $0x3  }
0x37: {  	[smem:$0x3F9A] =	sst s10  }
0x38: {  	s10 =	sld [smem:$0x3F9B]  }
0x39: {  	_ = 	snop;
	(pc) =	sbr.ind lr, $3  }
0x3a: {  	_ = 	snop  }
0x3b: {  	_ = 	snop  }
0x3c: {  	p2 =	seq.s32 s10, $0x1;
	s10 =	sld [smem:$0x3F9A]  }
0x3d: {  	_ =	shalt  }
0x3e: {  	_ =	shalt  }
0x3f: {  	_ =	shalt  }
0x40: {  	_ =	shalt  }
0x41: {  	_ =	shalt  }
0x42: {  	_ =	shalt  }
0x43: {  	_ =	shalt  }
0x44: {  	_ =	shalt  }
0x45: {  	_ =	shalt  }
0x46: {  	_ =	shalt  }
0x47: {  	_ =	shalt  }
0x48: {  	_ =	shalt  }
0x49: {  	_ =	shalt  }
0x4a: {  	_ =	shalt  }
0x4b: {  	_ =	shalt  }
0x4c: {  	_ =	shalt  }
0x4d: {  	_ =	shalt  }
0x4e: {  	_ =	shalt  }
0x4f: {  	_ =	shalt  }
0x50: {  	_ =	shalt  }
0x51: {  	_ =	shalt  }
0x52: {  	_ =	shalt  }
0x53: {  	_ =	shalt  }
0x54: {  	_ =	shalt  }
0x55: {  	_ =	shalt  }
0x56: {  	_ =	shalt  }
0x57: {  	_ =	shalt  }
0x58: {  	_ =	shalt  }
0x59: {  	_ =	shalt  }
0x5a: {  	_ =	shalt  }
0x5b: {  	_ =	shalt  }
0x5c: {  	_ =	shalt  }
0x5d: {  	_ =	shalt  }
0x5e: {  	_ =	shalt  }
0x5f: {  	_ =	shalt  }
0x60: {  	_ =	shalt  }
0x61: {  	_ =	shalt  }
0x62: {  	_ =	shalt  }
0x63: {  	_ =	shalt  }
0x64: {  	_ =	shalt  }
0x65: {  	_ =	shalt  }
0x66: {  	_ =	shalt  }
0x67: {  	_ =	shalt  }
0x68: {  	_ =	shalt  }
0x69: {  	_ =	shalt  }
0x6a: {  	_ =	shalt  }
0x6b: {  	_ =	shalt  }
0x6c: {  	_ =	shalt  }
0x6d: {  	_ =	shalt  }
0x6e: {  	_ =	shalt  }
0x6f: {  	_ =	shalt  }
0x70: {  	_ =	shalt  }
0x71: {  	_ =	shalt  }
0x72: {  	_ =	shalt  }
0x73: {  	_ =	shalt  }
0x74: {  	_ =	shalt  }
0x75: {  	_ =	shalt  }
0x76: {  	_ =	shalt  }
0x77: {  	_ =	shalt  }
0x78: {  	_ =	shalt  }
0x79: {  	_ =	shalt  }
0x7a: {  	_ =	shalt  }
0x7b: {  	_ =	shalt  }
0x7c: {  	_ =	shalt  }
0x7d: {  	_ =	shalt  }
0x7e: {  	_ =	shalt  }
0x7f: {  	_ =	shalt  }
0x80: {  	_ =	shalt  }
0x81: {  	_ =	shalt  }
0x82: {  	_ =	shalt  }
0x83: {  	_ =	shalt  }
0x84: {  	_ =	shalt  }
0x85: {  	_ =	shalt  }
0x86: {  	_ =	shalt  }
0x87: {  	_ =	shalt  }
.Lfunc_end0:
.L_simem_size_0:
called_computation_lowered:
.L_overlay_start_0:
0x88: {  	s2 =	sld [smem:$0x3FD9]  }
0x89: {  	s3 =	sld [smem:$0x3FFE];
	_ =	sdelay $0x1  }
0x8a: {  	s1 =	srdreg.scid  }
0x8b: {  	s0 =	sand.u32 $0x1, s1  }
0x8c: {  	s14 =	sshll.u32 s0, $0xA;
	s2 =	sadd.s32 s3, s2  }
0x8d: {  	s2 =	sadd.s32 s2, s14  }
0x8e: {  	[smem:$0x3FA6] =	sst s2  }
0x8f: {  	_ = 	snop  }
0x90: {  	s2 =	sld [smem:$0x3FD0];
	_ =	sdelay $0x2  }
0x91: {  	s15 =	simm.s32 $0xA;
	s4 =	simm.s32 $0x10  }
0x92: {  	[smem:s4], [sflag:s15] =	dma.local [hbm:s2], $0x1  }
0x93: {  	_ =	swait.eq [sflag:s15], $0x1  }
0x94: {  	[sflag:s15] =	ssyncset.done $0x0  }
0x95: {  	s16 =	sld [smem:$0x11];
	[sflag:s15] =	ssyncadd.s32 $0xFFFFFFFF  }
0x96: {  	s17 =	sld [smem:$0x12];
	(tm) =	ssettm $0x1  }
0x97: {  	s18 =	sld [smem:$0x3FFB];
	_ =	sdelay $0x3  }
0x98: {  	_ =	strace s18  }
0x99: {  	s4 =	sld [smem:$0x3FFC];
	_ =	sdelay $0x3  }
0x9a: {  	_ =	strace s4  }
0x9b: {  	s4 =	sld [smem:$0x3FFD];
	_ =	sdelay $0x3  }
0x9c: {  	_ =	strace s4  }
0x9d: {  	_ =	strace $0x8FFFFFFF  }
0x9e: {  	s19 =	sld [smem:$0x3FDB];
	_ =	sdelay $0x1  }
0x9f: {  	s5 =	simm.s32 $_scs_section_size  }
0xa0: {  	s6 =	simm.s32 $_size__tile_overlayer_lowered;
	s7 =	simm.s32 $_tile_overlayer_lowered  }
0xa1: {  	s22 =	simm.s32 $0x1BFF;
	s21 =	sshll.u32 s7, $0x1;
	s4 =	sadd.s32 s5, s19  }
0xa2: {  	s8 =	simm.s32 $0x0;
	s20 =	sshll.u32 s6, $0x1;
	s6 =	sadd.s32 s21, s4  }
0xa3: {  	[timem:s8], [sflag:s22] =	dma.local [hbm:s6], s20  }
0xa4: {  	_ =	swait.ge [sflag:s22], s20  }
0xa5: {  	s5 =	ssub.s32 $0x0, s20;
	[sflag:s22] =	ssyncset.done $0x0  }
0xa6: {  	[sflag:s22] =	ssyncadd.s32 s5;
	_ =	sdelay $0x1  }
0xa7: {  	s23 =	simm.s32 $0x1B8B  }
0xa8: {  	_ =	swait.ge [sflag:s23], $0x1  }
0xa9: {  	[sflag:s23] =	ssyncset.done $0x0  }
0xaa: {  	s25 =	simm.s32 $0x1B8E;
	s24 =	sld [smem:$0x3FFE];
	[sflag:s23] =	ssyncadd.s32 $0xFFFFFFFF  }
0xab: {  	s26 =	simm.s32 $execute0_lowered;
	[smem:$0x3FD2] =	sst s25  }
0xac: {  	s6 =	sshll.u32 s26, $0x1;
	_ =	strace $0x80000046;
	[dreg:$0x1] =	wrdreg $0xFFFFFFFF  }
0xad: {  	s28 =	simm.s32 $_size_execute0_lowered;
	s4 =	sadd.s32 s4, s6;
	[dreg:$0x0] =	wrdreg $0x0  }
0xae: {  	s6 =	sshll.u32 s28, $0x1;
	[dreg:$0x2] =	wrdreg s4  }
0xaf: {  	[dreg:$0x3] =	wrdreg s6  }
0xb0: {  	[dreg:$0x4] =	wrdreg $0xC0  }
0xb1: {  	_ =	task [dreg:s8], $0x5FFFF  }
0xb2: {  	[dreg:$0x1] =	wrdreg $0xFFFFFFFF  }
0xb3: {  	[dreg:$0x0] =	wrdreg $0x60  }
0xb4: {  	[dreg:$0x2] =	wrdreg s16  }
0xb5: {  	[dreg:$0x3] =	wrdreg s17  }
0xb6: {  	[dreg:$0x4] =	wrdreg s24  }
0xb7: {  	[dreg:$0x5] =	wrdreg $0x9  }
0xb8: {  	_ =	task.clear_ibuf [dreg:s8], $0x6FFFF;
	_ =	strace $0x90000046  }
0xb9: {  	s29 =	simm.s32 $0x9;
	_ =	strace $0x80000048  }
0xba: {  	_ =	swait.ge [sflag:s29], $0x1  }
0xbb: {  	[sflag:s29] =	ssyncadd.s32 $0xFFFFFFFF  }
0xbc: {  	_ =	strace $0x90000048  }
0xbd: {  	_ =	sfence  }
0xbe: {  	s30 =	sld [smem:$0x0];
	_ =	sdelay $0x2  }
0xbf: {  	s31 =	sshll.u32 s1, $0xD;
	s1 =	sshrl.u32 s1, $0x2  }
0xc0: {  	s3 =	sand.u32 $0x4000, s31;
	s1 =	sadd.s32 s1, s30  }
0xc1: {  	s0 =	sor.u32 s3, s0;
	s1 =	sshll.u32 s1, $0x11  }
0xc2: {  	s0 =	sor.u32 s1, s0  }
0xc3: {  	s0 =	sadd.s32 $0x8F2B, s0  }
0xc4: {  	[sflag:s0] =	ssyncadd.remote.s32 $0x1  }
0xc5: {  	_ =	sfence.sel $0xFFFF  }
0xc6: {  	[dreg:$0x0] =	wrdreg $0xFFFFFFFF;
	(pc) =	sbr.abs _section_cstart, $3  }
0xc7: {  	[dreg:$0x1] =	wrdreg $0xFFFFFFFF  }
0xc8: {  	_ =	task.clear_ibuf [dreg:s8], $0x2FFFF;
	_ =	strace $0x9FFFFFFF  }
0xc9: {  	(tm) =	ssettm $0x7FFFFFFF  }
tec
execute0_lowered:
.L_overlay_start_1:
0x0: {  	(tag) =	ssettag $0x1  }
0x1: {  	s1 =	rddreg [dreg:$0x0]  }
0x2: {  	s2 =	srdreg.scid;
	s4 =	rddreg [dreg:$0x1]  }
0x3: {  	s0 =	stileid.u32;
	s8 =	rddreg [dreg:$0x2];
	s6 =	sand.u32 $0x1, s2  }
0x4: {  	s3 =	simm.s32 $0x0;
	s5 =	sshll.u32 s0, $0x9;
	s7 =	sshll.u32 s6, $0x8  }
0x5: {  	[smem:$0x7FF] =	sst s3;
	s9 =	sor.u32 s7, s5  }
0x6: {  	s2 =	rddreg [dreg:$0x3];
	_ =	strace $0x80000047;
	s5 =	sshrl.u32 s9, $0x3  }
0x7: {  	s10 =	ssub.s32 $0x2, s6;
	s5 =	sadd.s32 s4, s5;
	s4 =	simm.s32 $0x2  }
0x8: {  	[tilespmem:s3], [sflag:$0x2] =	stream.linear.gather [hbm4b:s5+s3], $0x100, $0x38;
	[tilespmem:$0x8100] =	vst v63  }
0x9: {  	s11 =	sshrl.u32 s10, $0x1;
	_ =	swait.ge [sflag:s4], $0x100  }
0xa: {  	s6 =	simm.s32 $0x100;
	s10 =	ssub.s32 s10, s11;
	[sflag:s4] =	ssyncset.done $0x0  }
0xb: {  	s7 =	simm.s32 $0x1;
	s31 =	smax.u32 s10, $0x1;
	[sflag:s4] =	ssyncadd.s32 $0xFFFFFF00  }
0xc: {  	[tilespmem:s6], [sflag:$0x1] =	stream.indirect.gather [hbm4b:s1+s6], $0x80, s3, s6, $0xb8;
	[tilespmem:$0x8100] =	vst v63  }
0xd: {  	p0 =	sne.s32 s31, $0x1;
	_ =	swait.ge [sflag:s7], $0x8000  }
.Ltmp0:
0xe: {  	s9 =	sshll.u32 s9, $0x4;
	[sflag:s7] =	ssyncset.done $0x0;
	(pc) =	sbr.rel @!p0 .LBB2_2-.Ltmp0, $4  }
0xf: {  	s8 =	sadd.s32 s8, s9;
	[sflag:s7] =	ssyncadd.s32 $0xFFFF8000  }
0x10: {  	[hbm4b:s8+s3] =	stream.linear.scatter [tilespmem:s6], [sflag:$0x2], $0x8000, $0x38;
	[tilespmem:$0x8100] =	vst v63  }
0x11: {  	_ =	swait.ge [sflag:s4], $0x8000  }
0x12: {  	s9 =	sadd.s32 $0xFFFFFFFF, s31;
	[sflag:s4] =	ssyncset.done $0x0  }
.LBB2_1:
0x13: {  	p0 =	sne.s32 s9, $0x1;
	s9 =	sadd.s32 $0xFFFFFFFF, s9;
	[sflag:s4] =	ssyncadd.s32 $0xFFFF8000  }
0x14: {  	[tilespmem:s3], [sflag:$0x2] =	stream.linear.gather [hbm4b:s5+s3], $0x100, $0x38;
	[tilespmem:$0x8100] =	vst v63  }
0x15: {  	_ =	swait.ge [sflag:s4], $0x100  }
0x16: {  	[sflag:s4] =	ssyncset.done $0x0  }
0x17: {  	[sflag:s4] =	ssyncadd.s32 $0xFFFFFF00  }
0x18: {  	[tilespmem:s6], [sflag:$0x1] =	stream.indirect.gather [hbm4b:s1+s6], $0x80, s3, s6, $0xb8;
	[tilespmem:$0x8100] =	vst v63  }
0x19: {  	_ =	swait.ge [sflag:s7], $0x8000  }
.Ltmp1:
0x1a: {  	[sflag:s7] =	ssyncset.done $0x0;
	(pc) =	sbr.rel @p0 .LBB2_1-.Ltmp1, $4  }
0x1b: {  	[sflag:s7] =	ssyncadd.s32 $0xFFFF8000  }
0x1c: {  	[hbm4b:s8+s3] =	stream.linear.scatter [tilespmem:s6], [sflag:$0x2], $0x8000, $0x38;
	[tilespmem:$0x8100] =	vst v63  }
0x1d: {  	_ =	swait.ge [sflag:s4], $0x8000  }
0x1e: {  	[sflag:s4] =	ssyncset.done $0x0  }
.LBB2_2:
0x1f: {  	[sflag:s4] =	ssyncadd.s32 $0xFFFF8000  }
0x20: {  	_ =	sfence.sel $0x180000  }
0x21: {  	[bflag:$0x0] =	sbarrier.arrive $0xFFFF  }
0x22: {  	p0 =	sne.s32 s0, $0x0;
	_ =	strace $0x90000047  }
0x23: {  	s0 =	sadd.s32 @!p0 $0x100000, s2;
	[bflag:$0x2] =	sbarrier.arrive $0xFFFF  }
0x24: {  	[sflag:s0] =	ssyncadd.tile.s32 @!p0 $0x1;
	_ =	shalt  }
.Lfunc_end2:
_tile_overlayer_lowered:
.L_overlay_start_2:
0x25: {  	(tag) =	ssettag $0x2  }
0x26: {  	s0 =	rddreg [dreg:$0x0];
	s2 =	stileid.u32  }
0x27: {  	s1 =	rddreg [dreg:$0x1];
	p0 =	sne.s32 s2, $0x0  }
0x28: {  	s3 =	rddreg [dreg:$0x2];
	[bflag:$0x3] =	sbarrier.arrive $0xFFFF;
	s2 =	simm.s32 @!p0 $0x1C02  }
0x29: {  	[timem:s3], [sflag:s2] =	dma.local @!p0 [hbm:s0], s1  }
0x2a: {  	s0 =	simm.s32 @!p0 $0x2  }
0x2b: {  	_ =	swait.ge @!p0 [sflag:s0], s1  }
0x2c: {  	s1 =	ssub.s32 @!p0 $0x0, s1;
	[sflag:s0] =	ssyncset.done @!p0 $0x0  }
0x2d: {  	[sflag:s0] =	ssyncadd.s32 @!p0 s1  }
0x2e: {  	[bflag:$0x3] =	sbarrier.arrive $0xFFFF  }
0x2f: {  	_ =	shalt  }

</sc_bundles>
